<compile_context>
chip_gen: v7x
topology: tpu7x:2x2x1
jax: 0.10.2.dev20260603
libtpu: 0.0.44.dev20260713+nightly
codegen_flags: <defaults>
</compile_context>

<pallas_src>
import functools

import jax
import jax.numpy as jnp
from jax import lax
from jax.experimental import pallas as pl
from jax.experimental.pallas import tpu as pltpu
from jax.experimental.pallas import tpu_sc as plsc

POS_IOU = 0.5
NEG_IOU = 0.4
LOW_IOU = 0.1
EPS = 1e-6

B, N, M = 8, 20000, 128
BN = 5120
N_PAD = 20480
NB = N_PAD // BN


def _tc_body(num_s, bt_ref, g_ref, flag_ref, match_ref, win_ref, vals_ref,
             gmax_s, garg_s):
    b = pl.program_id(0)
    t = pl.program_id(1)

    bt = bt_ref[0]
    bx1 = bt[0:1, :]
    by1 = bt[1:2, :]
    bx2 = bt[2:3, :]
    by2 = bt[3:4, :]
    g = g_ref[0]
    gx1 = g[:, 0:1]
    gy1 = g[:, 1:2]
    gx2 = g[:, 2:3]
    gy2 = g[:, 3:4]

    ix1 = jnp.maximum(bx1, gx1)
    iy1 = jnp.maximum(by1, gy1)
    ix2 = jnp.minimum(bx2, gx2)
    iy2 = jnp.minimum(by2, gy2)
    iw = jnp.maximum(ix2 - ix1, 0.0)
    ih = jnp.maximum(iy2 - iy1, 0.0)
    inter = iw * ih
    area_b = (bx2 - bx1) * (by2 - by1)
    area_g = (gx2 - gx1) * (gy2 - gy1)
    denom = jnp.maximum(area_b + area_g - inter, EPS)
    iou = inter / denom

    amax = jnp.max(iou, axis=0, keepdims=True)
    sio = lax.broadcasted_iota(jnp.int32, (M, BN), 0)
    aarg = jnp.min(jnp.where(iou == amax, sio, M), axis=0, keepdims=True)
    flag = jnp.where(amax < NEG_IOU, jnp.int32(0), jnp.int32(-1))
    flag = jnp.where(amax >= POS_IOU, jnp.int32(1), flag)
    match = jnp.where(flag == 1, aarg, jnp.int32(-1))
    flag_ref[0, 0:1, pl.ds(t * BN, BN)] = flag
    match_ref[0, 0:1, pl.ds(t * BN, BN)] = match

    gmax_t = jnp.max(iou, axis=1, keepdims=True)
    lio = lax.broadcasted_iota(jnp.int32, (M, BN), 1)
    garg_t = jnp.min(jnp.where(iou == gmax_t, lio, BN),
                     axis=1, keepdims=True) + t * BN

    @pl.when(t == 0)
    def _():
        gmax_s[...] = gmax_t
        garg_s[...] = garg_t

    @pl.when(t > 0)
    def _():
        prev_max = gmax_s[...]
        prev_arg = garg_s[...]
        better = gmax_t > prev_max
        gmax_s[...] = jnp.where(better, gmax_t, prev_max)
        garg_s[...] = jnp.where(better, garg_t, prev_arg)

    @pl.when(t == NB - 1)
    def _():
        num = num_s[b]
        gio = lax.broadcasted_iota(jnp.int32, (M, 1), 0)
        vmask = gio < num
        valid = vmask & (gmax_s[...] >= LOW_IOU)
        win_col = jnp.where(valid, garg_s[...], jnp.int32(N))
        win_row = jnp.transpose(win_col)
        eq = win_col == win_row
        gp = lax.broadcasted_iota(jnp.int32, (M, M), 1)
        resolved = jnp.max(jnp.where(eq, gp, -1), axis=1, keepdims=True)
        win_ref[0] = win_col + b * N_PAD
        vals_ref[0] = resolved


def _sc_body(bh, win_h, vals_h, flag_h, match_h, flag_o, match_o, win_v,
             vals_v, row_v, sem):
    c = lax.axis_index("c")
    s = lax.axis_index("s")

    ch = N_PAD * bh // 16
    chunk_base = s * ch

    @pl.when(c == 0)
    def _():
        pltpu.sync_copy(flag_h.at[pl.ds(chunk_base, ch)], row_v)
        pltpu.sync_copy(row_v, flag_o.at[pl.ds(chunk_base, ch)])

    @pl.when(c == 1)
    def _():
        pltpu.sync_copy(match_h.at[pl.ds(chunk_base, ch)], row_v)
        pltpu.sync_copy(row_v, match_o.at[pl.ds(chunk_base, ch)])

    plsc.subcore_barrier()

    @pl.when(s < bh)
    def _():
        b = s
        pltpu.sync_copy(win_h.at[b], win_v)

        @pl.when(c == 0)
        def _():
            for j in range(M // 16):
                vals_v[pl.ds(j * 16, 16)] = jnp.full((16,), 1, jnp.int32)
            pltpu.async_copy(vals_v, flag_o.at[win_v], sem).wait()

        @pl.when(c == 1)
        def _():
            pltpu.sync_copy(vals_h.at[b], vals_v)
            pltpu.async_copy(vals_v, match_o.at[win_v], sem).wait()


def _tc_call(boxes_t, g4, num, bh):
    return pl.pallas_call(
        _tc_body,
        grid=(bh, NB),
        in_specs=[
            pl.BlockSpec(memory_space=pltpu.SMEM),
            pl.BlockSpec((1, 8, BN), lambda b, t: (b, 0, t)),
            pl.BlockSpec((1, M, 4), lambda b, t: (b, 0, 0)),
        ],
        out_specs=[
            pl.BlockSpec((1, 1, N_PAD), lambda b, t: (b, 0, 0)),
            pl.BlockSpec((1, 1, N_PAD), lambda b, t: (b, 0, 0)),
            pl.BlockSpec((1, M, 1), lambda b, t: (b, 0, 0)),
            pl.BlockSpec((1, M, 1), lambda b, t: (b, 0, 0)),
        ],
        out_shape=[
            jax.ShapeDtypeStruct((bh, 1, N_PAD), jnp.int32),
            jax.ShapeDtypeStruct((bh, 1, N_PAD), jnp.int32),
            jax.ShapeDtypeStruct((bh, M, 1), jnp.int32),
            jax.ShapeDtypeStruct((bh, M, 1), jnp.int32),
        ],
        scratch_shapes=[
            pltpu.VMEM((M, 1), jnp.float32),
            pltpu.VMEM((M, 1), jnp.int32),
        ],
        compiler_params=pltpu.CompilerParams(
            dimension_semantics=("arbitrary", "arbitrary")),
    )(num, boxes_t, g4)


@functools.cache
def _sc_apply(bh):
    return pl.kernel(
        functools.partial(_sc_body, bh),
        out_type=(
            jax.ShapeDtypeStruct((bh * N_PAD,), jnp.int32),
            jax.ShapeDtypeStruct((bh * N_PAD,), jnp.int32),
        ),
        mesh=plsc.VectorSubcoreMesh(core_axis_name="c", subcore_axis_name="s"),
        scratch_types=[
            pltpu.VMEM((M,), jnp.int32),
            pltpu.VMEM((M,), jnp.int32),
            pltpu.VMEM((N_PAD * bh // 16,), jnp.int32),
            pltpu.SemaphoreType.DMA,
        ],
    )


def _half(boxes_t, g4, num, bh):
    flag0, match0, win, vals = _tc_call(boxes_t, g4, num, bh)
    flag1, match1 = _sc_apply(bh)(
        win[:, :, 0], vals[:, :, 0],
        flag0.reshape(bh * N_PAD), match0.reshape(bh * N_PAD))
    return (flag1.reshape(bh, N_PAD)[:, :N],
            match1.reshape(bh, N_PAD)[:, :N])


def kernel(boxes, gt_boxes, gt_boxes_num):
    boxes_t = jnp.transpose(boxes, (0, 2, 1))
    boxes_t = jnp.pad(boxes_t, ((0, 0), (0, 4), (0, N_PAD - N)))
    num = gt_boxes_num.astype(jnp.int32)
    gvalid = jnp.arange(M, dtype=jnp.int32)[None, :, None] < num[:, None, None]
    g4 = jnp.where(gvalid, gt_boxes[:, :, :4], 0.0)

    f, m = _half(boxes_t, g4, num, B)
    return f, m

# --- scband reference (transcript-rebuilt; emitter-appended) ---
"""Pipeline reference for scband-max-io-umatcher-15719580303991 (READ-ONLY COPY).

The authoritative reference and input builder live on the scoring server;
editing this copy changes nothing except your own understanding.
"""

import jax, jax.numpy as jnp
import numpy as np

POS_IOU = 0.5
NEG_IOU = 0.4
ALLOW_LOW_QUALITY_MATCH = True
LOW_QUALITY_MATCH_IOU = 0.1
LEGACY_BBOX = False
OVERLAP_TYPE = "iou"
EPS = 1e-6
B, N, M = 8, 20000, 128


def _make_boxes(key, shape, scale=512.0):
    # build valid xyxy boxes (x1<=x2, y1<=y2) from uniform fill
    raw = jax.random.uniform(key, shape, dtype=jnp.float32) * scale
    lo = jnp.minimum(raw[..., :2], raw[..., 2:4])
    hi = jnp.maximum(raw[..., :2], raw[..., 2:4])
    return jnp.concatenate([lo, hi], axis=-1)


def setup_inputs(seed: int = 0) -> dict:
    key = jax.random.key(seed)
    k1, k2, k3 = jax.random.split(key, 3)
    boxes = _make_boxes(k1, (B, N, 4))
    gxy = _make_boxes(k2, (B, M, 4))
    gcls = jnp.ones((B, M, 1), dtype=jnp.float32)  # class column (gt_boxes is 5+ wide)
    gt_boxes = jnp.concatenate([gxy, gcls], axis=-1)
    gt_boxes_num = jax.random.randint(k3, (B,), 1, M + 1, dtype=jnp.int32)
    return {"boxes": boxes, "gt_boxes": gt_boxes, "gt_boxes_num": gt_boxes_num}


def _pairwise_overlap(boxes, gt_boxes):
    border = 1.0 if LEGACY_BBOX else 0.0
    b = boxes[:, :, None, :]          # (B, N, 1, 4)
    g = gt_boxes[:, None, :, :4]      # (B, 1, M, 4)
    ix1 = jnp.maximum(b[..., 0], g[..., 0])
    iy1 = jnp.maximum(b[..., 1], g[..., 1])
    ix2 = jnp.minimum(b[..., 2], g[..., 2])
    iy2 = jnp.minimum(b[..., 3], g[..., 3])
    iw = jnp.maximum(ix2 - ix1 + border, 0.0)
    ih = jnp.maximum(iy2 - iy1 + border, 0.0)
    inter = iw * ih
    area_b = (b[..., 2] - b[..., 0] + border) * (b[..., 3] - b[..., 1] + border)
    area_g = (g[..., 2] - g[..., 0] + border) * (g[..., 3] - g[..., 1] + border)
    if OVERLAP_TYPE == "iou":
        denom = area_b + area_g - inter
    else:  # "ioa"
        denom = area_b
    return inter / jnp.maximum(denom, EPS)   # (B, N, M)


def reference(boxes, gt_boxes, gt_boxes_num):
    # clip_gt_before_matching=False, so no clipping branch
    iou = _pairwise_overlap(boxes, gt_boxes)                      # (B, N, M)
    valid = jnp.arange(M)[None, None, :] < gt_boxes_num[:, None, None]
    iou = jnp.where(valid, iou, -1.0)                             # mask padded GT
    max_iou = jnp.max(iou, axis=2)                                # (B, N)
    argmax_gt = jnp.argmax(iou, axis=2).astype(jnp.int32)         # (B, N)
    flag = jnp.full((B, N), -1, dtype=jnp.int32)                  # ignore by default
    flag = jnp.where(max_iou < NEG_IOU, jnp.int32(0), flag)       # negatives
    flag = jnp.where(max_iou >= POS_IOU, jnp.int32(1), flag)      # positives
    matched_gt_id = jnp.where(flag == 1, argmax_gt, jnp.int32(-1))
    if ALLOW_LOW_QUALITY_MATCH:
        # for each valid GT, force-match its best-overlapping anchor if iou >= thresh
        gt_best_anchor = jnp.argmax(iou, axis=1)                  # (B, M)
        gt_max_iou = jnp.max(iou, axis=1)                         # (B, M)
        valid_gt = (jnp.arange(M)[None, :] < gt_boxes_num[:, None]) & (
            gt_max_iou >= LOW_QUALITY_MATCH_IOU)
        bidx = jnp.repeat(jnp.arange(B), M)
        aidx = gt_best_anchor.reshape(-1)
        gidx = jnp.tile(jnp.arange(M), B).astype(jnp.int32)
        aidx = jnp.where(valid_gt.reshape(-1), aidx, N)           # OOB -> dropped
        matched_gt_id = matched_gt_id.at[bidx, aidx].set(gidx, mode="drop")
        flag = flag.at[bidx, aidx].set(jnp.int32(1), mode="drop")
    return flag, matched_gt_id


if False:  # reference __main__ guard neutralized (emitter)
    inp = setup_inputs()
    flag, matched = reference(**inp)
    print(flag.shape, matched.shape, int((flag == 1).sum()))

if __name__ == "__main__":
    import jax
    _d = setup_inputs()
    print(jax.jit(kernel)(*tuple(_d.values())))

</pallas_src>

<mosaic_0001>
#map = affine_map<(d0, d1) -> (0, 0)>
#map1 = affine_map<(d0, d1) -> (0)>
module attributes {stable_mosaic.version = 14 : i64} {
  func.func @_sc_body(%arg0: i32, %arg1: i32, %arg2: memref<8x128xi32, #tpu.memory_space<hbm>>, %arg3: memref<8x128xi32, #tpu.memory_space<hbm>>, %arg4: memref<163840xi32, #tpu.memory_space<hbm>>, %arg5: memref<163840xi32, #tpu.memory_space<hbm>>, %arg6: memref<163840xi32, #tpu.memory_space<hbm>>, %arg7: memref<163840xi32, #tpu.memory_space<hbm>>, %arg8: memref<128xi32, #tpu.memory_space<vmem>>, %arg9: memref<128xi32, #tpu.memory_space<vmem>>, %arg10: memref<10240xi32, #tpu.memory_space<vmem>>, %arg11: memref<!tpu.dma_semaphore, #tpu.memory_space<semaphore_mem>>) attributes {dimension_semantics = [#tpu.dimension_semantics<core_parallel>, #tpu.dimension_semantics<subcore_parallel>], iteration_bounds = array<i64: 2, 16>, scalar_prefetch = 0 : i64, scratch_operands = 4 : i64, tpu.core_type = #tpu.core_type<sc_vector_subcore>, window_params = [{transform_indices = #map}, {transform_indices = #map}, {transform_indices = #map1}, {transform_indices = #map1}, {transform_indices = #map1}, {transform_indices = #map1}]} {
    %mul3A = arith.constant 10240 : i32
    %mul3A_0 = arith.muli %arg1, %mul3A : i32
    %eq3A = arith.constant 0 : i32
    %eq3A_1 = arith.cmpi eq, %arg0, %eq3A : i32
    %convert_element_type3A = arith.extui %eq3A_1 : i1 to i32
    %cond3A = arith.constant 0 : i32
    %cond3A_2 = arith.cmpi ne, %convert_element_type3A, %cond3A : i32
    scf.if %cond3A_2 {
      "tpu.region"() ({
        %run_scoped3A = tpu.sem_alloc : memref<!tpu.dma_semaphore, #tpu.memory_space<semaphore_mem>>
        %dma_start3A = tpu.memref_slice %arg4[%mul3A_0] : memref<163840xi32, #tpu.memory_space<hbm>> -> memref<10240xi32, #tpu.memory_space<hbm>>
        %dma_start3A_12 = tpu.memref_slice %arg4[%mul3A_0] : memref<163840xi32, #tpu.memory_space<hbm>> -> memref<10240xi32, #tpu.memory_space<hbm>>
        tpu.enqueue_dma source(%dma_start3A_12 : memref<10240xi32, #tpu.memory_space<hbm>>) target(%arg10 : memref<10240xi32, #tpu.memory_space<vmem>>) target_semaphore(%run_scoped3A : memref<!tpu.dma_semaphore, #tpu.memory_space<semaphore_mem>>)
        %dma_wait3A = tpu.memref_slice %arg4[%mul3A_0] : memref<163840xi32, #tpu.memory_space<hbm>> -> memref<10240xi32, #tpu.memory_space<hbm>>
        %dma_wait3A_13 = tpu.memref_slice %arg4[%mul3A_0] : memref<163840xi32, #tpu.memory_space<hbm>> -> memref<10240xi32, #tpu.memory_space<hbm>>
        tpu.wait_dma2 semaphore(%run_scoped3A : memref<!tpu.dma_semaphore, #tpu.memory_space<semaphore_mem>>) src(%dma_wait3A_13 : memref<10240xi32, #tpu.memory_space<hbm>>) dst(%arg10 : memref<10240xi32, #tpu.memory_space<vmem>>)
        tpu.yield
      }) : () -> ()
      "tpu.region"() ({
        %run_scoped3A = tpu.sem_alloc : memref<!tpu.dma_semaphore, #tpu.memory_space<semaphore_mem>>
        %dma_start3A = tpu.memref_slice %arg6[%mul3A_0] : memref<163840xi32, #tpu.memory_space<hbm>> -> memref<10240xi32, #tpu.memory_space<hbm>>
        %dma_start3A_12 = tpu.memref_slice %arg6[%mul3A_0] : memref<163840xi32, #tpu.memory_space<hbm>> -> memref<10240xi32, #tpu.memory_space<hbm>>
        tpu.enqueue_dma source(%arg10 : memref<10240xi32, #tpu.memory_space<vmem>>) target(%dma_start3A_12 : memref<10240xi32, #tpu.memory_space<hbm>>) target_semaphore(%run_scoped3A : memref<!tpu.dma_semaphore, #tpu.memory_space<semaphore_mem>>)
        %dma_wait3A = tpu.memref_slice %arg6[%mul3A_0] : memref<163840xi32, #tpu.memory_space<hbm>> -> memref<10240xi32, #tpu.memory_space<hbm>>
        %dma_wait3A_13 = tpu.memref_slice %arg6[%mul3A_0] : memref<163840xi32, #tpu.memory_space<hbm>> -> memref<10240xi32, #tpu.memory_space<hbm>>
        tpu.wait_dma2 semaphore(%run_scoped3A : memref<!tpu.dma_semaphore, #tpu.memory_space<semaphore_mem>>) src(%arg10 : memref<10240xi32, #tpu.memory_space<vmem>>) dst(%dma_wait3A_13 : memref<10240xi32, #tpu.memory_space<hbm>>)
        tpu.yield
      }) : () -> ()
    } else {
    }
    %eq3A_3 = arith.constant 1 : i32
    %eq3A_4 = arith.cmpi eq, %arg0, %eq3A_3 : i32
    %convert_element_type3A_5 = arith.extui %eq3A_4 : i1 to i32
    %cond3A_6 = arith.constant 0 : i32
    %cond3A_7 = arith.cmpi ne, %convert_element_type3A_5, %cond3A_6 : i32
    scf.if %cond3A_7 {
      "tpu.region"() ({
        %run_scoped3A = tpu.sem_alloc : memref<!tpu.dma_semaphore, #tpu.memory_space<semaphore_mem>>
        %dma_start3A = tpu.memref_slice %arg5[%mul3A_0] : memref<163840xi32, #tpu.memory_space<hbm>> -> memref<10240xi32, #tpu.memory_space<hbm>>
        %dma_start3A_12 = tpu.memref_slice %arg5[%mul3A_0] : memref<163840xi32, #tpu.memory_space<hbm>> -> memref<10240xi32, #tpu.memory_space<hbm>>
        tpu.enqueue_dma source(%dma_start3A_12 : memref<10240xi32, #tpu.memory_space<hbm>>) target(%arg10 : memref<10240xi32, #tpu.memory_space<vmem>>) target_semaphore(%run_scoped3A : memref<!tpu.dma_semaphore, #tpu.memory_space<semaphore_mem>>)
        %dma_wait3A = tpu.memref_slice %arg5[%mul3A_0] : memref<163840xi32, #tpu.memory_space<hbm>> -> memref<10240xi32, #tpu.memory_space<hbm>>
        %dma_wait3A_13 = tpu.memref_slice %arg5[%mul3A_0] : memref<163840xi32, #tpu.memory_space<hbm>> -> memref<10240xi32, #tpu.memory_space<hbm>>
        tpu.wait_dma2 semaphore(%run_scoped3A : memref<!tpu.dma_semaphore, #tpu.memory_space<semaphore_mem>>) src(%dma_wait3A_13 : memref<10240xi32, #tpu.memory_space<hbm>>) dst(%arg10 : memref<10240xi32, #tpu.memory_space<vmem>>)
        tpu.yield
      }) : () -> ()
      "tpu.region"() ({
        %run_scoped3A = tpu.sem_alloc : memref<!tpu.dma_semaphore, #tpu.memory_space<semaphore_mem>>
        %dma_start3A = tpu.memref_slice %arg7[%mul3A_0] : memref<163840xi32, #tpu.memory_space<hbm>> -> memref<10240xi32, #tpu.memory_space<hbm>>
        %dma_start3A_12 = tpu.memref_slice %arg7[%mul3A_0] : memref<163840xi32, #tpu.memory_space<hbm>> -> memref<10240xi32, #tpu.memory_space<hbm>>
        tpu.enqueue_dma source(%arg10 : memref<10240xi32, #tpu.memory_space<vmem>>) target(%dma_start3A_12 : memref<10240xi32, #tpu.memory_space<hbm>>) target_semaphore(%run_scoped3A : memref<!tpu.dma_semaphore, #tpu.memory_space<semaphore_mem>>)
        %dma_wait3A = tpu.memref_slice %arg7[%mul3A_0] : memref<163840xi32, #tpu.memory_space<hbm>> -> memref<10240xi32, #tpu.memory_space<hbm>>
        %dma_wait3A_13 = tpu.memref_slice %arg7[%mul3A_0] : memref<163840xi32, #tpu.memory_space<hbm>> -> memref<10240xi32, #tpu.memory_space<hbm>>
        tpu.wait_dma2 semaphore(%run_scoped3A : memref<!tpu.dma_semaphore, #tpu.memory_space<semaphore_mem>>) src(%arg10 : memref<10240xi32, #tpu.memory_space<vmem>>) dst(%dma_wait3A_13 : memref<10240xi32, #tpu.memory_space<hbm>>)
        tpu.yield
      }) : () -> ()
    } else {
    }
    %barrier3A = arith.constant 0 : index
    tpu.barrier barrier_id(%barrier3A)
    %lt3A = arith.constant 8 : i32
    %lt3A_8 = arith.cmpi slt, %arg1, %lt3A : i32
    %convert_element_type3A_9 = arith.extui %lt3A_8 : i1 to i32
    %cond3A_10 = arith.constant 0 : i32
    %cond3A_11 = arith.cmpi ne, %convert_element_type3A_9, %cond3A_10 : i32
    scf.if %cond3A_11 {
      "tpu.region"() ({
        %run_scoped3A = tpu.sem_alloc : memref<!tpu.dma_semaphore, #tpu.memory_space<semaphore_mem>>
        %dma_start3A = arith.constant 0 : i32
        %dma_start3A_22 = tpu.memref_slice %arg2[%arg1, %dma_start3A] : memref<8x128xi32, #tpu.memory_space<hbm>> -> memref<1x128xi32, #tpu.memory_space<hbm>>
        %dma_start3A_23 = tpu.memref_squeeze %dma_start3A_22 : memref<1x128xi32, #tpu.memory_space<hbm>> -> memref<128xi32, #tpu.memory_space<hbm>>
        %dma_start3A_24 = arith.constant 0 : i32
        %dma_start3A_25 = tpu.memref_slice %arg2[%arg1, %dma_start3A_24] : memref<8x128xi32, #tpu.memory_space<hbm>> -> memref<1x128xi32, #tpu.memory_space<hbm>>
        %dma_start3A_26 = tpu.memref_squeeze %dma_start3A_25 : memref<1x128xi32, #tpu.memory_space<hbm>> -> memref<128xi32, #tpu.memory_space<hbm>>
        tpu.enqueue_dma source(%dma_start3A_26 : memref<128xi32, #tpu.memory_space<hbm>>) target(%arg8 : memref<128xi32, #tpu.memory_space<vmem>>) target_semaphore(%run_scoped3A : memref<!tpu.dma_semaphore, #tpu.memory_space<semaphore_mem>>)
        %dma_wait3A = arith.constant 0 : i32
        %dma_wait3A_27 = tpu.memref_slice %arg2[%arg1, %dma_wait3A] : memref<8x128xi32, #tpu.memory_space<hbm>> -> memref<1x128xi32, #tpu.memory_space<hbm>>
        %dma_wait3A_28 = tpu.memref_squeeze %dma_wait3A_27 : memref<1x128xi32, #tpu.memory_space<hbm>> -> memref<128xi32, #tpu.memory_space<hbm>>
        %dma_wait3A_29 = arith.constant 0 : i32
        %dma_wait3A_30 = tpu.memref_slice %arg2[%arg1, %dma_wait3A_29] : memref<8x128xi32, #tpu.memory_space<hbm>> -> memref<1x128xi32, #tpu.memory_space<hbm>>
        %dma_wait3A_31 = tpu.memref_squeeze %dma_wait3A_30 : memref<1x128xi32, #tpu.memory_space<hbm>> -> memref<128xi32, #tpu.memory_space<hbm>>
        tpu.wait_dma2 semaphore(%run_scoped3A : memref<!tpu.dma_semaphore, #tpu.memory_space<semaphore_mem>>) src(%dma_wait3A_31 : memref<128xi32, #tpu.memory_space<hbm>>) dst(%arg8 : memref<128xi32, #tpu.memory_space<vmem>>)
        tpu.yield
      }) : () -> ()
      %eq3A_12 = arith.constant 0 : i32
      %eq3A_13 = arith.cmpi eq, %arg0, %eq3A_12 : i32
      %convert_element_type3A_14 = arith.extui %eq3A_13 : i1 to i32
      %cond3A_15 = arith.constant 0 : i32
      %cond3A_16 = arith.cmpi ne, %convert_element_type3A_14, %cond3A_15 : i32
      scf.if %cond3A_16 {
        %broadcast_in_dim3A = arith.constant 1 : i32
        %broadcast_in_dim3A_22 = vector.broadcast %broadcast_in_dim3A : i32 to vector<16xi32>
        %swap3A = arith.constant 0 : index
        %swap3A_23 = tpu.vector_load %arg9[%swap3A] {strides = array<i32>} : memref<128xi32, #tpu.memory_space<vmem>>, vector<16xi32>,
        %swap3A_24 = vector.shape_cast %swap3A_23 : vector<16xi32> to vector<16xi32>
        %swap3A_25 = vector.shape_cast %broadcast_in_dim3A_22 : vector<16xi32> to vector<16xi32>
        tpu.vector_store %arg9[%swap3A], %swap3A_25 {strides = array<i32>} : memref<128xi32, #tpu.memory_space<vmem>>, vector<16xi32>,
        %broadcast_in_dim3A_26 = arith.constant 1 : i32
        %broadcast_in_dim3A_27 = vector.broadcast %broadcast_in_dim3A_26 : i32 to vector<16xi32>
        %swap3A_28 = arith.constant 16 : index
        %swap3A_29 = tpu.vector_load %arg9[%swap3A_28] {strides = array<i32>} : memref<128xi32, #tpu.memory_space<vmem>>, vector<16xi32>,
        %swap3A_30 = vector.shape_cast %swap3A_29 : vector<16xi32> to vector<16xi32>
        %swap3A_31 = vector.shape_cast %broadcast_in_dim3A_27 : vector<16xi32> to vector<16xi32>
        tpu.vector_store %arg9[%swap3A_28], %swap3A_31 {strides = array<i32>} : memref<128xi32, #tpu.memory_space<vmem>>, vector<16xi32>,
        %broadcast_in_dim3A_32 = arith.constant 1 : i32
        %broadcast_in_dim3A_33 = vector.broadcast %broadcast_in_dim3A_32 : i32 to vector<16xi32>
        %swap3A_34 = arith.constant 32 : index
        %swap3A_35 = tpu.vector_load %arg9[%swap3A_34] {strides = array<i32>} : memref<128xi32, #tpu.memory_space<vmem>>, vector<16xi32>,
        %swap3A_36 = vector.shape_cast %swap3A_35 : vector<16xi32> to vector<16xi32>
        %swap3A_37 = vector.shape_cast %broadcast_in_dim3A_33 : vector<16xi32> to vector<16xi32>
        tpu.vector_store %arg9[%swap3A_34], %swap3A_37 {strides = array<i32>} : memref<128xi32, #tpu.memory_space<vmem>>, vector<16xi32>,
        %broadcast_in_dim3A_38 = arith.constant 1 : i32
        %broadcast_in_dim3A_39 = vector.broadcast %broadcast_in_dim3A_38 : i32 to vector<16xi32>
        %swap3A_40 = arith.constant 48 : index
        %swap3A_41 = tpu.vector_load %arg9[%swap3A_40] {strides = array<i32>} : memref<128xi32, #tpu.memory_space<vmem>>, vector<16xi32>,
        %swap3A_42 = vector.shape_cast %swap3A_41 : vector<16xi32> to vector<16xi32>
        %swap3A_43 = vector.shape_cast %broadcast_in_dim3A_39 : vector<16xi32> to vector<16xi32>
        tpu.vector_store %arg9[%swap3A_40], %swap3A_43 {strides = array<i32>} : memref<128xi32, #tpu.memory_space<vmem>>, vector<16xi32>,
        %broadcast_in_dim3A_44 = arith.constant 1 : i32
        %broadcast_in_dim3A_45 = vector.broadcast %broadcast_in_dim3A_44 : i32 to vector<16xi32>
        %swap3A_46 = arith.constant 64 : index
        %swap3A_47 = tpu.vector_load %arg9[%swap3A_46] {strides = array<i32>} : memref<128xi32, #tpu.memory_space<vmem>>, vector<16xi32>,
        %swap3A_48 = vector.shape_cast %swap3A_47 : vector<16xi32> to vector<16xi32>
        %swap3A_49 = vector.shape_cast %broadcast_in_dim3A_45 : vector<16xi32> to vector<16xi32>
        tpu.vector_store %arg9[%swap3A_46], %swap3A_49 {strides = array<i32>} : memref<128xi32, #tpu.memory_space<vmem>>, vector<16xi32>,
        %broadcast_in_dim3A_50 = arith.constant 1 : i32
        %broadcast_in_dim3A_51 = vector.broadcast %broadcast_in_dim3A_50 : i32 to vector<16xi32>
        %swap3A_52 = arith.constant 80 : index
        %swap3A_53 = tpu.vector_load %arg9[%swap3A_52] {strides = array<i32>} : memref<128xi32, #tpu.memory_space<vmem>>, vector<16xi32>,
        %swap3A_54 = vector.shape_cast %swap3A_53 : vector<16xi32> to vector<16xi32>
        %swap3A_55 = vector.shape_cast %broadcast_in_dim3A_51 : vector<16xi32> to vector<16xi32>
        tpu.vector_store %arg9[%swap3A_52], %swap3A_55 {strides = array<i32>} : memref<128xi32, #tpu.memory_space<vmem>>, vector<16xi32>,
        %broadcast_in_dim3A_56 = arith.constant 1 : i32
        %broadcast_in_dim3A_57 = vector.broadcast %broadcast_in_dim3A_56 : i32 to vector<16xi32>
        %swap3A_58 = arith.constant 96 : index
        %swap3A_59 = tpu.vector_load %arg9[%swap3A_58] {strides = array<i32>} : memref<128xi32, #tpu.memory_space<vmem>>, vector<16xi32>,
        %swap3A_60 = vector.shape_cast %swap3A_59 : vector<16xi32> to vector<16xi32>
        %swap3A_61 = vector.shape_cast %broadcast_in_dim3A_57 : vector<16xi32> to vector<16xi32>
        tpu.vector_store %arg9[%swap3A_58], %swap3A_61 {strides = array<i32>} : memref<128xi32, #tpu.memory_space<vmem>>, vector<16xi32>,
        %broadcast_in_dim3A_62 = arith.constant 1 : i32
        %broadcast_in_dim3A_63 = vector.broadcast %broadcast_in_dim3A_62 : i32 to vector<16xi32>
        %swap3A_64 = arith.constant 112 : index
        %swap3A_65 = tpu.vector_load %arg9[%swap3A_64] {strides = array<i32>} : memref<128xi32, #tpu.memory_space<vmem>>, vector<16xi32>,
        %swap3A_66 = vector.shape_cast %swap3A_65 : vector<16xi32> to vector<16xi32>
        %swap3A_67 = vector.shape_cast %broadcast_in_dim3A_63 : vector<16xi32> to vector<16xi32>
        tpu.vector_store %arg9[%swap3A_64], %swap3A_67 {strides = array<i32>} : memref<128xi32, #tpu.memory_space<vmem>>, vector<16xi32>,
        %dma_start3A = arith.constant 0 : i32
        %dma_start3A_68 = tpu.memref_slice %arg6[%dma_start3A] : memref<163840xi32, #tpu.memory_space<hbm>> -> memref<163840xi32, #tpu.memory_space<hbm>>
        tpu.enqueue_indirect_dma source(%arg9 : memref<128xi32, #tpu.memory_space<vmem>>) target(%dma_start3A_68 : memref<163840xi32, #tpu.memory_space<hbm>>) offsets(%arg8 : memref<128xi32, #tpu.memory_space<vmem>>) semaphore(%arg11 : memref<!tpu.dma_semaphore, #tpu.memory_space<semaphore_mem>>)
        %dma_wait3A = arith.constant 0 : i32
        %dma_wait3A_69 = tpu.memref_slice %arg6[%dma_wait3A] : memref<163840xi32, #tpu.memory_space<hbm>> -> memref<163840xi32, #tpu.memory_space<hbm>>
        tpu.wait_indirect_dma semaphore(%arg11 : memref<!tpu.dma_semaphore, #tpu.memory_space<semaphore_mem>>) src(%arg9 : memref<128xi32, #tpu.memory_space<vmem>>) dst(%dma_wait3A_69 : memref<163840xi32, #tpu.memory_space<hbm>>)
      } else {
      }
      %eq3A_17 = arith.constant 1 : i32
      %eq3A_18 = arith.cmpi eq, %arg0, %eq3A_17 : i32
      %convert_element_type3A_19 = arith.extui %eq3A_18 : i1 to i32
      %cond3A_20 = arith.constant 0 : i32
      %cond3A_21 = arith.cmpi ne, %convert_element_type3A_19, %cond3A_20 : i32
      scf.if %cond3A_21 {
        "tpu.region"() ({
          %run_scoped3A = tpu.sem_alloc : memref<!tpu.dma_semaphore, #tpu.memory_space<semaphore_mem>>
          %dma_start3A_24 = arith.constant 0 : i32
          %dma_start3A_25 = tpu.memref_slice %arg3[%arg1, %dma_start3A_24] : memref<8x128xi32, #tpu.memory_space<hbm>> -> memref<1x128xi32, #tpu.memory_space<hbm>>
          %dma_start3A_26 = tpu.memref_squeeze %dma_start3A_25 : memref<1x128xi32, #tpu.memory_space<hbm>> -> memref<128xi32, #tpu.memory_space<hbm>>
          %dma_start3A_27 = arith.constant 0 : i32
          %dma_start3A_28 = tpu.memref_slice %arg3[%arg1, %dma_start3A_27] : memref<8x128xi32, #tpu.memory_space<hbm>> -> memref<1x128xi32, #tpu.memory_space<hbm>>
          %dma_start3A_29 = tpu.memref_squeeze %dma_start3A_28 : memref<1x128xi32, #tpu.memory_space<hbm>> -> memref<128xi32, #tpu.memory_space<hbm>>
          tpu.enqueue_dma source(%dma_start3A_29 : memref<128xi32, #tpu.memory_space<hbm>>) target(%arg9 : memref<128xi32, #tpu.memory_space<vmem>>) target_semaphore(%run_scoped3A : memref<!tpu.dma_semaphore, #tpu.memory_space<semaphore_mem>>)
          %dma_wait3A_30 = arith.constant 0 : i32
          %dma_wait3A_31 = tpu.memref_slice %arg3[%arg1, %dma_wait3A_30] : memref<8x128xi32, #tpu.memory_space<hbm>> -> memref<1x128xi32, #tpu.memory_space<hbm>>
          %dma_wait3A_32 = tpu.memref_squeeze %dma_wait3A_31 : memref<1x128xi32, #tpu.memory_space<hbm>> -> memref<128xi32, #tpu.memory_space<hbm>>
          %dma_wait3A_33 = arith.constant 0 : i32
          %dma_wait3A_34 = tpu.memref_slice %arg3[%arg1, %dma_wait3A_33] : memref<8x128xi32, #tpu.memory_space<hbm>> -> memref<1x128xi32, #tpu.memory_space<hbm>>
          %dma_wait3A_35 = tpu.memref_squeeze %dma_wait3A_34 : memref<1x128xi32, #tpu.memory_space<hbm>> -> memref<128xi32, #tpu.memory_space<hbm>>
          tpu.wait_dma2 semaphore(%run_scoped3A : memref<!tpu.dma_semaphore, #tpu.memory_space<semaphore_mem>>) src(%dma_wait3A_35 : memref<128xi32, #tpu.memory_space<hbm>>) dst(%arg9 : memref<128xi32, #tpu.memory_space<vmem>>)
          tpu.yield
        }) : () -> ()
        %dma_start3A = arith.constant 0 : i32
        %dma_start3A_22 = tpu.memref_slice %arg7[%dma_start3A] : memref<163840xi32, #tpu.memory_space<hbm>> -> memref<163840xi32, #tpu.memory_space<hbm>>
        tpu.enqueue_indirect_dma source(%arg9 : memref<128xi32, #tpu.memory_space<vmem>>) target(%dma_start3A_22 : memref<163840xi32, #tpu.memory_space<hbm>>) offsets(%arg8 : memref<128xi32, #tpu.memory_space<vmem>>) semaphore(%arg11 : memref<!tpu.dma_semaphore, #tpu.memory_space<semaphore_mem>>)
        %dma_wait3A = arith.constant 0 : i32
        %dma_wait3A_23 = tpu.memref_slice %arg7[%dma_wait3A] : memref<163840xi32, #tpu.memory_space<hbm>> -> memref<163840xi32, #tpu.memory_space<hbm>>
        tpu.wait_indirect_dma semaphore(%arg11 : memref<!tpu.dma_semaphore, #tpu.memory_space<semaphore_mem>>) src(%arg9 : memref<128xi32, #tpu.memory_space<vmem>>) dst(%dma_wait3A_23 : memref<163840xi32, #tpu.memory_space<hbm>>)
      } else {
      }
    } else {
    }
    return
  }
}

module attributes {stable_mosaic.version = 14 : i64} {
  func.func @_tc_body(%arg0: i32, %arg1: i32, %arg2: memref<8xi32, #tpu.memory_space<smem>>, %arg3: memref<1x8x5120xf32, #tpu.memory_space<vmem>>, %arg4: memref<1x128x4xf32, #tpu.memory_space<vmem>>, %arg5: memref<1x1x20480xi32, #tpu.memory_space<vmem>>, %arg6: memref<1x1x20480xi32, #tpu.memory_space<vmem>>, %arg7: memref<1x128x1xi32, #tpu.memory_space<vmem>>, %arg8: memref<1x128x1xi32, #tpu.memory_space<vmem>>, %arg9: memref<128x1xf32, #tpu.memory_space<vmem>>, %arg10: memref<128x1xi32, #tpu.memory_space<vmem>>) attributes {dimension_semantics = [#tpu.dimension_semantics<arbitrary>, #tpu.dimension_semantics<arbitrary>], iteration_bounds = array<i64: 8, 4>, scalar_prefetch = 0 : i64, scratch_operands = 2 : i64, tpu.core_type = #tpu.core_type<tc>, window_params = [{transform_indices = @transform_0, window_bounds = array<i64: 8>}, {transform_indices = @transform_1, window_bounds = array<i64: 1, 8, 5120>}, {transform_indices = @transform_2, window_bounds = array<i64: 1, 128, 4>}, {transform_indices = @transform_3, window_bounds = array<i64: 1, 1, 20480>}, {transform_indices = @transform_4, window_bounds = array<i64: 1, 1, 20480>}, {transform_indices = @transform_5, window_bounds = array<i64: 1, 128, 1>}, {transform_indices = @transform_6, window_bounds = array<i64: 1, 128, 1>}]} {
    %get3A = arith.constant 0 : index
    %get3A_0 = arith.constant 0 : index
    %get3A_1 = arith.constant 0 : index
    %get3A_2 = vector.load %arg3[%get3A, %get3A_0, %get3A_1] : memref<1x8x5120xf32, #tpu.memory_space<vmem>>, vector<1x8x5120xf32>
    %get3A_3 = vector.shape_cast %get3A_2 : vector<1x8x5120xf32> to vector<8x5120xf32>
    %slice3A = vector.extract_strided_slice %get3A_3 {offsets = [0, 0], sizes = [1, 5120], strides = [1, 1]} : vector<8x5120xf32> to vector<1x5120xf32>
    %slice3A_4 = vector.extract_strided_slice %get3A_3 {offsets = [1, 0], sizes = [1, 5120], strides = [1, 1]} : vector<8x5120xf32> to vector<1x5120xf32>
    %slice3A_5 = vector.extract_strided_slice %get3A_3 {offsets = [2, 0], sizes = [1, 5120], strides = [1, 1]} : vector<8x5120xf32> to vector<1x5120xf32>
    %slice3A_6 = vector.extract_strided_slice %get3A_3 {offsets = [3, 0], sizes = [1, 5120], strides = [1, 1]} : vector<8x5120xf32> to vector<1x5120xf32>
    %get3A_7 = arith.constant 0 : index
    %get3A_8 = arith.constant 0 : index
    %get3A_9 = arith.constant 0 : index
    %get3A_10 = vector.load %arg4[%get3A_7, %get3A_8, %get3A_9] : memref<1x128x4xf32, #tpu.memory_space<vmem>>, vector<1x128x4xf32>
    %get3A_11 = vector.shape_cast %get3A_10 : vector<1x128x4xf32> to vector<128x4xf32>
    %slice3A_12 = vector.extract_strided_slice %get3A_11 {offsets = [0, 0], sizes = [128, 1], strides = [1, 1]} : vector<128x4xf32> to vector<128x1xf32>
    %slice3A_13 = vector.extract_strided_slice %get3A_11 {offsets = [0, 1], sizes = [128, 1], strides = [1, 1]} : vector<128x4xf32> to vector<128x1xf32>
    %slice3A_14 = vector.extract_strided_slice %get3A_11 {offsets = [0, 2], sizes = [128, 1], strides = [1, 1]} : vector<128x4xf32> to vector<128x1xf32>
    %slice3A_15 = vector.extract_strided_slice %get3A_11 {offsets = [0, 3], sizes = [128, 1], strides = [1, 1]} : vector<128x4xf32> to vector<128x1xf32>
    %max3A = vector.broadcast %slice3A : vector<1x5120xf32> to vector<128x5120xf32>
    %max3A_16 = vector.broadcast %slice3A_12 : vector<128x1xf32> to vector<128x5120xf32>
    %max3A_17 = arith.maximumf %max3A, %max3A_16 : vector<128x5120xf32>
    %max3A_18 = vector.broadcast %slice3A_4 : vector<1x5120xf32> to vector<128x5120xf32>
    %max3A_19 = vector.broadcast %slice3A_13 : vector<128x1xf32> to vector<128x5120xf32>
    %max3A_20 = arith.maximumf %max3A_18, %max3A_19 : vector<128x5120xf32>
    %min3A = vector.broadcast %slice3A_5 : vector<1x5120xf32> to vector<128x5120xf32>
    %min3A_21 = vector.broadcast %slice3A_14 : vector<128x1xf32> to vector<128x5120xf32>
    %min3A_22 = arith.minimumf %min3A, %min3A_21 : vector<128x5120xf32>
    %min3A_23 = vector.broadcast %slice3A_6 : vector<1x5120xf32> to vector<128x5120xf32>
    %min3A_24 = vector.broadcast %slice3A_15 : vector<128x1xf32> to vector<128x5120xf32>
    %min3A_25 = arith.minimumf %min3A_23, %min3A_24 : vector<128x5120xf32>
    %sub3A = arith.subf %min3A_22, %max3A_17 : vector<128x5120xf32>
    %max3A_26 = arith.constant 0.000000e+00 : f32
    %max3A_27 = vector.broadcast %max3A_26 : f32 to vector<128x5120xf32>
    %max3A_28 = arith.maximumf %sub3A, %max3A_27 : vector<128x5120xf32>
    %sub3A_29 = arith.subf %min3A_25, %max3A_20 : vector<128x5120xf32>
    %max3A_30 = arith.constant 0.000000e+00 : f32
    %max3A_31 = vector.broadcast %max3A_30 : f32 to vector<128x5120xf32>
    %max3A_32 = arith.maximumf %sub3A_29, %max3A_31 : vector<128x5120xf32>
    %mul3A = arith.mulf %max3A_28, %max3A_32 : vector<128x5120xf32>
    %sub3A_33 = arith.subf %slice3A_5, %slice3A : vector<1x5120xf32>
    %sub3A_34 = arith.subf %slice3A_6, %slice3A_4 : vector<1x5120xf32>
    %mul3A_35 = arith.mulf %sub3A_33, %sub3A_34 : vector<1x5120xf32>
    %sub3A_36 = arith.subf %slice3A_14, %slice3A_12 : vector<128x1xf32>
    %sub3A_37 = arith.subf %slice3A_15, %slice3A_13 : vector<128x1xf32>
    %mul3A_38 = arith.mulf %sub3A_36, %sub3A_37 : vector<128x1xf32>
    %add3A = vector.broadcast %mul3A_35 : vector<1x5120xf32> to vector<128x5120xf32>
    %add3A_39 = vector.broadcast %mul3A_38 : vector<128x1xf32> to vector<128x5120xf32>
    %add3A_40 = arith.addf %add3A, %add3A_39 : vector<128x5120xf32>
    %sub3A_41 = arith.subf %add3A_40, %mul3A : vector<128x5120xf32>
    %max3A_42 = arith.constant 9.99999997E-7 : f32
    %max3A_43 = vector.broadcast %max3A_42 : f32 to vector<128x5120xf32>
    %max3A_44 = arith.maximumf %sub3A_41, %max3A_43 : vector<128x5120xf32>
    %div3A = arith.divf %mul3A, %max3A_44 : vector<128x5120xf32>
    %reduce_max3A = arith.constant dense<0xFF800000> : vector<5120xf32>
    %reduce_max3A_45 = vector.multi_reduction <maximumf>, %div3A, %reduce_max3A [0] : vector<128x5120xf32> to vector<5120xf32>
    %broadcast_in_dim3A = vector.shape_cast %reduce_max3A_45 : vector<5120xf32> to vector<1x5120xf32>
    %iota3A = tpu.iota {dimensions = array<i32: 0>} : vector<128x5120xi32>
    %eq3A = vector.broadcast %broadcast_in_dim3A : vector<1x5120xf32> to vector<128x5120xf32>
    %eq3A_46 = arith.cmpf oeq, %div3A, %eq3A : vector<128x5120xf32>
    %jit3A = arith.constant 128 : i32
    %broadcast_in_dim3A_47 = vector.broadcast %jit3A : i32 to vector<128x5120xi32>
    %select_n3A = arith.select %eq3A_46, %iota3A, %broadcast_in_dim3A_47 : vector<128x5120xi1>, vector<128x5120xi32>
    %reduce_min3A = arith.constant dense<2147483647> : vector<5120xi32>
    %reduce_min3A_48 = vector.multi_reduction <minsi>, %select_n3A, %reduce_min3A [0] : vector<128x5120xi32> to vector<5120xi32>
    %broadcast_in_dim3A_49 = vector.shape_cast %reduce_min3A_48 : vector<5120xi32> to vector<1x5120xi32>
    %lt3A = arith.constant 4.000000e-01 : f32
    %lt3A_50 = vector.broadcast %lt3A : f32 to vector<1x5120xf32>
    %lt3A_51 = arith.cmpf olt, %broadcast_in_dim3A, %lt3A_50 : vector<1x5120xf32>
    %jit3A_52 = arith.constant 0 : i32
    %jit3A_53 = arith.constant -1 : i32
    %broadcast_in_dim3A_54 = vector.broadcast %jit3A_52 : i32 to vector<1x5120xi32>
    %broadcast_in_dim3A_55 = vector.broadcast %jit3A_53 : i32 to vector<1x5120xi32>
    %select_n3A_56 = arith.select %lt3A_51, %broadcast_in_dim3A_54, %broadcast_in_dim3A_55 : vector<1x5120xi1>, vector<1x5120xi32>
    %ge3A = arith.constant 5.000000e-01 : f32
    %ge3A_57 = vector.broadcast %ge3A : f32 to vector<1x5120xf32>
    %ge3A_58 = arith.cmpf oge, %broadcast_in_dim3A, %ge3A_57 : vector<1x5120xf32>
    %jit3A_59 = arith.constant 1 : i32
    %broadcast_in_dim3A_60 = vector.broadcast %jit3A_59 : i32 to vector<1x5120xi32>
    %select_n3A_61 = arith.select %ge3A_58, %broadcast_in_dim3A_60, %select_n3A_56 : vector<1x5120xi1>, vector<1x5120xi32>
    %eq3A_62 = arith.constant 1 : i32
    %eq3A_63 = vector.broadcast %eq3A_62 : i32 to vector<1x5120xi32>
    %eq3A_64 = arith.cmpi eq, %select_n3A_61, %eq3A_63 : vector<1x5120xi32>
    %jit3A_65 = arith.constant -1 : i32
    %broadcast_in_dim3A_66 = vector.broadcast %jit3A_65 : i32 to vector<1x5120xi32>
    %select_n3A_67 = arith.select %eq3A_64, %broadcast_in_dim3A_49, %broadcast_in_dim3A_66 : vector<1x5120xi1>, vector<1x5120xi32>
    %mul3A_68 = arith.constant 5120 : i32
    %mul3A_69 = arith.muli %arg1, %mul3A_68 : i32
    %swap3A = arith.constant 0 : index
    %swap3A_70 = arith.constant 0 : index
    %swap3A_71 = arith.index_cast %mul3A_69 : i32 to index
    %swap3A_72 = vector.load %arg5[%swap3A, %swap3A_70, %swap3A_71] : memref<1x1x20480xi32, #tpu.memory_space<vmem>>, vector<1x1x5120xi32>
    %swap3A_73 = vector.shape_cast %swap3A_72 : vector<1x1x5120xi32> to vector<1x5120xi32>
    %swap3A_74 = vector.shape_cast %select_n3A_61 : vector<1x5120xi32> to vector<1x1x5120xi32>
    tpu.vector_store %arg5[%swap3A, %swap3A_70, %swap3A_71], %swap3A_74 {strides = array<i32>} : memref<1x1x20480xi32, #tpu.memory_space<vmem>>, vector<1x1x5120xi32>,
    %mul3A_75 = arith.constant 5120 : i32
    %mul3A_76 = arith.muli %arg1, %mul3A_75 : i32
    %swap3A_77 = arith.constant 0 : index
    %swap3A_78 = arith.constant 0 : index
    %swap3A_79 = arith.index_cast %mul3A_76 : i32 to index
    %swap3A_80 = vector.load %arg6[%swap3A_77, %swap3A_78, %swap3A_79] : memref<1x1x20480xi32, #tpu.memory_space<vmem>>, vector<1x1x5120xi32>
    %swap3A_81 = vector.shape_cast %swap3A_80 : vector<1x1x5120xi32> to vector<1x5120xi32>
    %swap3A_82 = vector.shape_cast %select_n3A_67 : vector<1x5120xi32> to vector<1x1x5120xi32>
    tpu.vector_store %arg6[%swap3A_77, %swap3A_78, %swap3A_79], %swap3A_82 {strides = array<i32>} : memref<1x1x20480xi32, #tpu.memory_space<vmem>>, vector<1x1x5120xi32>,
    %reduce_max3A_83 = arith.constant dense<0xFF800000> : vector<128xf32>
    %reduce_max3A_84 = vector.multi_reduction <maximumf>, %div3A, %reduce_max3A_83 [1] : vector<128x5120xf32> to vector<128xf32>
    %broadcast_in_dim3A_85 = vector.shape_cast %reduce_max3A_84 : vector<128xf32> to vector<128x1xf32>
    %iota3A_86 = tpu.iota {dimensions = array<i32: 1>} : vector<128x5120xi32>
    %eq3A_87 = vector.broadcast %broadcast_in_dim3A_85 : vector<128x1xf32> to vector<128x5120xf32>
    %eq3A_88 = arith.cmpf oeq, %div3A, %eq3A_87 : vector<128x5120xf32>
    %jit3A_89 = arith.constant 5120 : i32
    %broadcast_in_dim3A_90 = vector.broadcast %jit3A_89 : i32 to vector<128x5120xi32>
    %select_n3A_91 = arith.select %eq3A_88, %iota3A_86, %broadcast_in_dim3A_90 : vector<128x5120xi1>, vector<128x5120xi32>
    %reduce_min3A_92 = arith.constant dense<2147483647> : vector<128xi32>
    %reduce_min3A_93 = vector.multi_reduction <minsi>, %select_n3A_91, %reduce_min3A_92 [1] : vector<128x5120xi32> to vector<128xi32>
    %broadcast_in_dim3A_94 = vector.shape_cast %reduce_min3A_93 : vector<128xi32> to vector<128x1xi32>
    %mul3A_95 = arith.constant 5120 : i32
    %mul3A_96 = arith.muli %arg1, %mul3A_95 : i32
    %add3A_97 = vector.broadcast %mul3A_96 : i32 to vector<128x1xi32>
    %add3A_98 = arith.addi %broadcast_in_dim3A_94, %add3A_97 : vector<128x1xi32>
    %eq3A_99 = arith.constant 0 : i32
    %eq3A_100 = arith.cmpi eq, %arg1, %eq3A_99 : i32
    %convert_element_type3A = arith.extui %eq3A_100 : i1 to i32
    %cond3A = arith.constant 0 : i32
    %cond3A_101 = arith.cmpi ne, %convert_element_type3A, %cond3A : i32
    scf.if %cond3A_101 {
      %swap3A_111 = arith.constant 0 : index
      %swap3A_112 = arith.constant 0 : index
      %swap3A_113 = vector.load %arg9[%swap3A_111, %swap3A_112] : memref<128x1xf32, #tpu.memory_space<vmem>>, vector<128x1xf32>
      tpu.vector_store %arg9[%swap3A_111, %swap3A_112], %broadcast_in_dim3A_85 {strides = array<i32>} : memref<128x1xf32, #tpu.memory_space<vmem>>, vector<128x1xf32>,
      %swap3A_114 = arith.constant 0 : index
      %swap3A_115 = arith.constant 0 : index
      %swap3A_116 = vector.load %arg10[%swap3A_114, %swap3A_115] : memref<128x1xi32, #tpu.memory_space<vmem>>, vector<128x1xi32>
      tpu.vector_store %arg10[%swap3A_114, %swap3A_115], %add3A_98 {strides = array<i32>} : memref<128x1xi32, #tpu.memory_space<vmem>>, vector<128x1xi32>,
    } else {
    }
    %gt3A = arith.constant 0 : i32
    %gt3A_102 = arith.cmpi sgt, %arg1, %gt3A : i32
    %convert_element_type3A_103 = arith.extui %gt3A_102 : i1 to i32
    %cond3A_104 = arith.constant 0 : i32
    %cond3A_105 = arith.cmpi ne, %convert_element_type3A_103, %cond3A_104 : i32
    scf.if %cond3A_105 {
      %get3A_111 = arith.constant 0 : index
      %get3A_112 = arith.constant 0 : index
      %get3A_113 = vector.load %arg9[%get3A_111, %get3A_112] : memref<128x1xf32, #tpu.memory_space<vmem>>, vector<128x1xf32>
      %get3A_114 = arith.constant 0 : index
      %get3A_115 = arith.constant 0 : index
      %get3A_116 = vector.load %arg10[%get3A_114, %get3A_115] : memref<128x1xi32, #tpu.memory_space<vmem>>, vector<128x1xi32>
      %gt3A_117 = arith.cmpf ogt, %broadcast_in_dim3A_85, %get3A_113 : vector<128x1xf32>
      %select_n3A_118 = arith.select %gt3A_117, %broadcast_in_dim3A_85, %get3A_113 : vector<128x1xi1>, vector<128x1xf32>
      %swap3A_119 = arith.constant 0 : index
      %swap3A_120 = arith.constant 0 : index
      %swap3A_121 = vector.load %arg9[%swap3A_119, %swap3A_120] : memref<128x1xf32, #tpu.memory_space<vmem>>, vector<128x1xf32>
      tpu.vector_store %arg9[%swap3A_119, %swap3A_120], %select_n3A_118 {strides = array<i32>} : memref<128x1xf32, #tpu.memory_space<vmem>>, vector<128x1xf32>,
      %select_n3A_122 = arith.select %gt3A_117, %add3A_98, %get3A_116 : vector<128x1xi1>, vector<128x1xi32>
      %swap3A_123 = arith.constant 0 : index
      %swap3A_124 = arith.constant 0 : index
      %swap3A_125 = vector.load %arg10[%swap3A_123, %swap3A_124] : memref<128x1xi32, #tpu.memory_space<vmem>>, vector<128x1xi32>
      tpu.vector_store %arg10[%swap3A_123, %swap3A_124], %select_n3A_122 {strides = array<i32>} : memref<128x1xi32, #tpu.memory_space<vmem>>, vector<128x1xi32>,
    } else {
    }
    %eq3A_106 = arith.constant 3 : i32
    %eq3A_107 = arith.cmpi eq, %arg1, %eq3A_106 : i32
    %convert_element_type3A_108 = arith.extui %eq3A_107 : i1 to i32
    %cond3A_109 = arith.constant 0 : i32
    %cond3A_110 = arith.cmpi ne, %convert_element_type3A_108, %cond3A_109 : i32
    scf.if %cond3A_110 {
      %get3A_111 = arith.index_cast %arg0 : i32 to index
      %get3A_112 = memref.load %arg2[%get3A_111] : memref<8xi32, #tpu.memory_space<smem>>
      %iota3A_113 = tpu.iota {dimensions = array<i32: 0>} : vector<128x1xi32>
      %lt3A_114 = vector.broadcast %get3A_112 : i32 to vector<128x1xi32>
      %lt3A_115 = arith.cmpi slt, %iota3A_113, %lt3A_114 : vector<128x1xi32>
      %get3A_116 = arith.constant 0 : index
      %get3A_117 = arith.constant 0 : index
      %get3A_118 = vector.load %arg9[%get3A_116, %get3A_117] : memref<128x1xf32, #tpu.memory_space<vmem>>, vector<128x1xf32>
      %ge3A_119 = arith.constant 1.000000e-01 : f32
      %ge3A_120 = vector.broadcast %ge3A_119 : f32 to vector<128x1xf32>
      %ge3A_121 = arith.cmpf oge, %get3A_118, %ge3A_120 : vector<128x1xf32>
      %and3A = arith.andi %lt3A_115, %ge3A_121 : vector<128x1xi1>
      %get3A_122 = arith.constant 0 : index
      %get3A_123 = arith.constant 0 : index
      %get3A_124 = vector.load %arg10[%get3A_122, %get3A_123] : memref<128x1xi32, #tpu.memory_space<vmem>>, vector<128x1xi32>
      %jit3A_125 = arith.constant 20000 : i32
      %broadcast_in_dim3A_126 = vector.broadcast %jit3A_125 : i32 to vector<128x1xi32>
      %select_n3A_127 = arith.select %and3A, %get3A_124, %broadcast_in_dim3A_126 : vector<128x1xi1>, vector<128x1xi32>
      %transpose3A = tpu.transpose %select_n3A_127, [1, 0] : vector<128x1xi32> -> vector<1x128xi32>
      %eq3A_128 = vector.broadcast %select_n3A_127 : vector<128x1xi32> to vector<128x128xi32>
      %eq3A_129 = vector.broadcast %transpose3A : vector<1x128xi32> to vector<128x128xi32>
      %eq3A_130 = arith.cmpi eq, %eq3A_128, %eq3A_129 : vector<128x128xi32>
      %iota3A_131 = tpu.iota {dimensions = array<i32: 1>} : vector<128x128xi32>
      %jit3A_132 = arith.constant -1 : i32
      %broadcast_in_dim3A_133 = vector.broadcast %jit3A_132 : i32 to vector<128x128xi32>
      %select_n3A_134 = arith.select %eq3A_130, %iota3A_131, %broadcast_in_dim3A_133 : vector<128x128xi1>, vector<128x128xi32>
      %reduce_max3A_135 = arith.constant dense<-2147483648> : vector<128xi32>
      %reduce_max3A_136 = vector.multi_reduction <maxsi>, %select_n3A_134, %reduce_max3A_135 [1] : vector<128x128xi32> to vector<128xi32>
      %broadcast_in_dim3A_137 = vector.shape_cast %reduce_max3A_136 : vector<128xi32> to vector<128x1xi32>
      %mul3A_138 = arith.constant 20480 : i32
      %mul3A_139 = arith.muli %arg0, %mul3A_138 : i32
      %add3A_140 = vector.broadcast %mul3A_139 : i32 to vector<128x1xi32>
      %add3A_141 = arith.addi %select_n3A_127, %add3A_140 : vector<128x1xi32>
      %swap3A_142 = arith.constant 0 : index
      %swap3A_143 = arith.constant 0 : index
      %swap3A_144 = arith.constant 0 : index
      %swap3A_145 = vector.load %arg7[%swap3A_142, %swap3A_143, %swap3A_144] : memref<1x128x1xi32, #tpu.memory_space<vmem>>, vector<1x128x1xi32>
      %swap3A_146 = vector.shape_cast %swap3A_145 : vector<1x128x1xi32> to vector<128x1xi32>
      %swap3A_147 = vector.shape_cast %add3A_141 : vector<128x1xi32> to vector<1x128x1xi32>
      tpu.vector_store %arg7[%swap3A_142, %swap3A_143, %swap3A_144], %swap3A_147 {strides = array<i32>} : memref<1x128x1xi32, #tpu.memory_space<vmem>>, vector<1x128x1xi32>,
      %swap3A_148 = arith.constant 0 : index
      %swap3A_149 = arith.constant 0 : index
      %swap3A_150 = arith.constant 0 : index
      %swap3A_151 = vector.load %arg8[%swap3A_148, %swap3A_149, %swap3A_150] : memref<1x128x1xi32, #tpu.memory_space<vmem>>, vector<1x128x1xi32>
      %swap3A_152 = vector.shape_cast %swap3A_151 : vector<1x128x1xi32> to vector<128x1xi32>
      %swap3A_153 = vector.shape_cast %broadcast_in_dim3A_137 : vector<128x1xi32> to vector<1x128x1xi32>
      tpu.vector_store %arg8[%swap3A_148, %swap3A_149, %swap3A_150], %swap3A_153 {strides = array<i32>} : memref<1x128x1xi32, #tpu.memory_space<vmem>>, vector<1x128x1xi32>,
    } else {
    }
    return
  }
  func.func @transform_0(%arg0: i32, %arg1: i32) -> i32 {
    %c0_i32 = arith.constant 0 : i32
    %c0_i32_0 = arith.constant 0 : i32
    return %c0_i32 : i32
  }
  func.func @transform_1(%arg0: i32, %arg1: i32) -> (i32, i32, i32) {
    %c0_i32 = arith.constant 0 : i32
    %c0_i32_0 = arith.constant 0 : i32
    return %arg0, %c0_i32, %arg1 : i32, i32, i32
  }
  func.func @transform_2(%arg0: i32, %arg1: i32) -> (i32, i32, i32) {
    %c0_i32 = arith.constant 0 : i32
    %c0_i32_0 = arith.constant 0 : i32
    %c0_i32_1 = arith.constant 0 : i32
    return %arg0, %c0_i32, %c0_i32_0 : i32, i32, i32
  }
  func.func @transform_3(%arg0: i32, %arg1: i32) -> (i32, i32, i32) {
    %c0_i32 = arith.constant 0 : i32
    %c0_i32_0 = arith.constant 0 : i32
    %c0_i32_1 = arith.constant 0 : i32
    return %arg0, %c0_i32, %c0_i32_0 : i32, i32, i32
  }
  func.func @transform_4(%arg0: i32, %arg1: i32) -> (i32, i32, i32) {
    %c0_i32 = arith.constant 0 : i32
    %c0_i32_0 = arith.constant 0 : i32
    %c0_i32_1 = arith.constant 0 : i32
    return %arg0, %c0_i32, %c0_i32_0 : i32, i32, i32
  }
  func.func @transform_5(%arg0: i32, %arg1: i32) -> (i32, i32, i32) {
    %c0_i32 = arith.constant 0 : i32
    %c0_i32_0 = arith.constant 0 : i32
    %c0_i32_1 = arith.constant 0 : i32
    return %arg0, %c0_i32, %c0_i32_0 : i32, i32, i32
  }
  func.func @transform_6(%arg0: i32, %arg1: i32) -> (i32, i32, i32) {
    %c0_i32 = arith.constant 0 : i32
    %c0_i32_0 = arith.constant 0 : i32
    %c0_i32_1 = arith.constant 0 : i32
    return %arg0, %c0_i32, %c0_i32_0 : i32, i32, i32
  }
}

</mosaic_0001>

<sc_bundles>
// kernel: kernel.4.cloned.1.call-start
scs
__scs_entry_jumppad:
0x0: {  	(pc) =	sbr.rel $0x88, $3  }
0x1: {  	(tag) =	ssettag $0x0;
	lr =	simm.s32 $0x1  }
0x2: {  	[smem:$0x3F9E] =	sst lr;
	_ =	strace $0xD0000000  }
0x3: {  	_ = 	snop  }
0x4: {  	_ = 	snop  }
0x5: {  	_ = 	snop  }
0x6: {  	_ = 	snop  }
0x7: {  	_ = 	snop  }
__scs_overlays_trampoline_lowered:
0x8: {  	[smem:$0x3FAD] =	sst s0  }
0x9: {  	[smem:$0x3FAE] =	sst s1  }
0xa: {  	[smem:$0x3FAF] =	sst s2  }
0xb: {  	[smem:$0x3FB0] =	sst s3  }
0xc: {  	[smem:$0x3FB1] =	sst s4  }
0xd: {  	[smem:$0x3FB2] =	sst s5  }
0xe: {  	[smem:$0x3FB3] =	sst s6  }
0xf: {  	[smem:$0x3FB4] =	sst s7  }
0x10: {  	[smem:$0x3FB5] =	sst s8  }
0x11: {  	[smem:$0x3FB6] =	sst s9;
	s0 =	simm.s32 @!p0 $0x0  }
0x12: {  	s1 =	sld [smem:$0x3F9C];
	s0 =	simm.s32 @p0 $0x1  }
0x13: {  	[smem:$0x3FB7] =	sst s0;
	s0 =	simm.s32 @!p1 $0x0  }
0x14: {  	s2 =	sld [smem:$0x3F9B];
	s0 =	simm.s32 @p1 $0x1  }
0x15: {  	[smem:$0x3FB8] =	sst s0;
	s0 =	simm.s32 @!p2 $0x0  }
0x16: {  	s3 =	sld [smem:$0x3FDB];
	s0 =	simm.s32 @p2 $0x1  }
0x17: {  	s4 =	simm.s32 $0x1BF5;
	[smem:$0x3FBA] =	sst s0  }
0x18: {  	s0 =	sld [smem:$0x3F9D];
	_ =	swait.ge [sflag:s4], $0x0  }
0x19: {  	s7 =	sld [smem:$0x3F9E]  }
0x1a: {  	s8 =	sadd.s32 $0xFFFFE003, lr  }
0x1b: {  	s9 =	sadd.s32 $0xFFFFFEF7, lr;
	s5 =	simm.s32 $0xFFFFFFFF;
	p2 =	slt.u32 s8, $0xFFFFF086  }
0x1c: {  	p1 =	slt.u32 s9, $0xF7A;
	s5 =	simm.s32 @!p2 $0x0  }
0x1d: {  	s5 =	simm.s32 @p1 $0x1;
	p0 =	seq.s32 s7, s2  }
0x1e: {  	s7 =	smul.u32 @!p0 $0xF7A, s2;
	p2 =	seq.s32 @!p0 s5, $0x0  }
0x1f: {  	s9 =	smul.u32 $0xF7A, s1;
	s8 =	simm.s32 @!p0 $0x1BF5;
	p2 =	por !p2, p0  }
0x20: {  	[sflag:s8] =	ssyncset.s32 @!p0 $0xFFFFF086;
	s6 =	sadd.s32 @!p0 s3, s7;
	s7 =	simm.s32 @!p0 $0x108  }
0x21: {  	s3 =	sadd.s32 s3, s9;
	s6 =	sadd.s32 @!p0 $0x88, s6;
	s7 =	simm.s32 @p2 $0x1082  }
0x22: {  	[simem:s7], [sflag:s8] =	dma.local @!p0 [hbm:s6], $0xF7A  }
0x23: {  	s9 =	sor.u32 $0xD0000000, s2;
	s6 =	simm.s32 $0x108;
	_ =	swait.ge @!p0 [sflag:s8], $0x0  }
0x24: {  	s3 =	sadd.s32 $0x88, s3;
	s6 =	simm.s32 @!p1 $0x1082;
	[sflag:s4] =	ssyncset.s32 $0xFFFFF086  }
0x25: {  	[simem:s6], [sflag:s4] =	dma.local [hbm:s3], $0xF7A  }
0x26: {  	[smem:$0x3F9E] =	sst s1;
	(tag) =	ssettag s2;
	_ =	strace s9  }
0x27: {  	s1 =	sld [smem:$0x3FAE]  }
0x28: {  	s2 =	sld [smem:$0x3FAF]  }
0x29: {  	s4 =	sld [smem:$0x3FB1]  }
0x2a: {  	p0 =	seq.s32 s5, $0x0;
	s5 =	sld [smem:$0x3FB2]  }
0x2b: {  	s6 =	sld [smem:$0x3FB3]  }
0x2c: {  	s7 =	sld [smem:$0x3FB4]  }
0x2d: {  	s3 =	simm.s32 $0x108;
	s8 =	sld [smem:$0x3FB5]  }
0x2e: {  	s3 =	simm.s32 @!p0 $0x1082;
	s9 =	sld [smem:$0x3FB6]  }
0x2f: {  	lr =	sadd.s32 s0, s3;
	s0 =	sld [smem:$0x3FAD]  }
0x30: {  	s3 =	sld [smem:$0x3FB0]  }
0x31: {  	[smem:$0x3FB9] =	sst s10  }
0x32: {  	s10 =	sld [smem:$0x3FB7];
	_ =	sdelay $0x3  }
0x33: {  	p0 =	seq.s32 s10, $0x1;
	s10 =	sld [smem:$0x3FB9];
	_ =	sdelay $0x3  }
0x34: {  	[smem:$0x3FB9] =	sst s10  }
0x35: {  	s10 =	sld [smem:$0x3FB8];
	_ =	sdelay $0x3  }
0x36: {  	p1 =	seq.s32 s10, $0x1;
	s10 =	sld [smem:$0x3FB9];
	_ =	sdelay $0x3  }
0x37: {  	[smem:$0x3FB9] =	sst s10  }
0x38: {  	s10 =	sld [smem:$0x3FBA]  }
0x39: {  	_ = 	snop;
	(pc) =	sbr.ind lr, $3  }
0x3a: {  	_ = 	snop  }
0x3b: {  	_ = 	snop  }
0x3c: {  	p2 =	seq.s32 s10, $0x1;
	s10 =	sld [smem:$0x3FB9]  }
0x3d: {  	_ =	shalt  }
0x3e: {  	_ =	shalt  }
0x3f: {  	_ =	shalt  }
0x40: {  	_ =	shalt  }
0x41: {  	_ =	shalt  }
0x42: {  	_ =	shalt  }
0x43: {  	_ =	shalt  }
0x44: {  	_ =	shalt  }
0x45: {  	_ =	shalt  }
0x46: {  	_ =	shalt  }
0x47: {  	_ =	shalt  }
0x48: {  	_ =	shalt  }
0x49: {  	_ =	shalt  }
0x4a: {  	_ =	shalt  }
0x4b: {  	_ =	shalt  }
0x4c: {  	_ =	shalt  }
0x4d: {  	_ =	shalt  }
0x4e: {  	_ =	shalt  }
0x4f: {  	_ =	shalt  }
0x50: {  	_ =	shalt  }
0x51: {  	_ =	shalt  }
0x52: {  	_ =	shalt  }
0x53: {  	_ =	shalt  }
0x54: {  	_ =	shalt  }
0x55: {  	_ =	shalt  }
0x56: {  	_ =	shalt  }
0x57: {  	_ =	shalt  }
0x58: {  	_ =	shalt  }
0x59: {  	_ =	shalt  }
0x5a: {  	_ =	shalt  }
0x5b: {  	_ =	shalt  }
0x5c: {  	_ =	shalt  }
0x5d: {  	_ =	shalt  }
0x5e: {  	_ =	shalt  }
0x5f: {  	_ =	shalt  }
0x60: {  	_ =	shalt  }
0x61: {  	_ =	shalt  }
0x62: {  	_ =	shalt  }
0x63: {  	_ =	shalt  }
0x64: {  	_ =	shalt  }
0x65: {  	_ =	shalt  }
0x66: {  	_ =	shalt  }
0x67: {  	_ =	shalt  }
0x68: {  	_ =	shalt  }
0x69: {  	_ =	shalt  }
0x6a: {  	_ =	shalt  }
0x6b: {  	_ =	shalt  }
0x6c: {  	_ =	shalt  }
0x6d: {  	_ =	shalt  }
0x6e: {  	_ =	shalt  }
0x6f: {  	_ =	shalt  }
0x70: {  	_ =	shalt  }
0x71: {  	_ =	shalt  }
0x72: {  	_ =	shalt  }
0x73: {  	_ =	shalt  }
0x74: {  	_ =	shalt  }
0x75: {  	_ =	shalt  }
0x76: {  	_ =	shalt  }
0x77: {  	_ =	shalt  }
0x78: {  	_ =	shalt  }
0x79: {  	_ =	shalt  }
0x7a: {  	_ =	shalt  }
0x7b: {  	_ =	shalt  }
0x7c: {  	_ =	shalt  }
0x7d: {  	_ =	shalt  }
0x7e: {  	_ =	shalt  }
0x7f: {  	_ =	shalt  }
0x80: {  	_ =	shalt  }
0x81: {  	_ =	shalt  }
0x82: {  	_ =	shalt  }
0x83: {  	_ =	shalt  }
0x84: {  	_ =	shalt  }
0x85: {  	_ =	shalt  }
0x86: {  	_ =	shalt  }
0x87: {  	_ =	shalt  }
.Lfunc_end0:
.L_simem_size_0:
called_computation_lowered:
.L_overlay_start_0:
0x88: {  	s2 =	sld [smem:$0x3FD9]  }
0x89: {  	s3 =	sld [smem:$0x3FFE];
	_ =	sdelay $0x1  }
0x8a: {  	s1 =	srdreg.scid  }
0x8b: {  	s0 =	sand.u32 $0x1, s1  }
0x8c: {  	s14 =	sshll.u32 s0, $0xA;
	s2 =	sadd.s32 s3, s2  }
0x8d: {  	s2 =	sadd.s32 s2, s14  }
0x8e: {  	[smem:$0x3FC5] =	sst s2  }
0x8f: {  	_ = 	snop  }
0x90: {  	s2 =	sld [smem:$0x3FD0];
	_ =	sdelay $0x2  }
0x91: {  	s15 =	simm.s32 $0xA;
	s4 =	simm.s32 $0x10  }
0x92: {  	[smem:s4], [sflag:s15] =	dma.local [hbm:s2], $0x1  }
0x93: {  	_ =	swait.eq [sflag:s15], $0x1  }
0x94: {  	[sflag:s15] =	ssyncset.done $0x0  }
0x95: {  	s16 =	sld [smem:$0x10];
	[sflag:s15] =	ssyncadd.s32 $0xFFFFFFFF  }
0x96: {  	s17 =	sld [smem:$0x11];
	(tm) =	ssettm $0x1  }
0x97: {  	s18 =	sld [smem:$0x3FFB];
	_ =	sdelay $0x3  }
0x98: {  	_ =	strace s18  }
0x99: {  	s4 =	sld [smem:$0x3FFC];
	_ =	sdelay $0x3  }
0x9a: {  	_ =	strace s4  }
0x9b: {  	s4 =	sld [smem:$0x3FFD];
	_ =	sdelay $0x3  }
0x9c: {  	_ =	strace s4  }
0x9d: {  	_ =	strace $0x8FFFFFFF  }
0x9e: {  	s19 =	sld [smem:$0x3FDB];
	_ =	sdelay $0x1  }
0x9f: {  	s5 =	simm.s32 $_scs_section_size  }
0xa0: {  	s6 =	simm.s32 $_size__tile_overlayer_lowered;
	s7 =	simm.s32 $_tile_overlayer_lowered  }
0xa1: {  	s22 =	simm.s32 $0x1BFF;
	s21 =	sshll.u32 s7, $0x1;
	s4 =	sadd.s32 s5, s19  }
0xa2: {  	s8 =	simm.s32 $0x0;
	s20 =	sshll.u32 s6, $0x1;
	s6 =	sadd.s32 s21, s4  }
0xa3: {  	[timem:s8], [sflag:s22] =	dma.local [hbm:s6], s20  }
0xa4: {  	_ =	swait.ge [sflag:s22], s20  }
0xa5: {  	s5 =	ssub.s32 $0x0, s20;
	[sflag:s22] =	ssyncset.done $0x0  }
0xa6: {  	[sflag:s22] =	ssyncadd.s32 s5;
	_ =	sdelay $0x1  }
0xa7: {  	s23 =	simm.s32 $0x1B8B  }
0xa8: {  	_ =	swait.ge [sflag:s23], $0x1  }
0xa9: {  	[sflag:s23] =	ssyncset.done $0x0  }
0xaa: {  	s25 =	simm.s32 $0x1B8E;
	s24 =	sld [smem:$0x3FFE];
	[sflag:s23] =	ssyncadd.s32 $0xFFFFFFFF  }
0xab: {  	s26 =	simm.s32 $execute0_lowered;
	[smem:$0x3FD2] =	sst s25  }
0xac: {  	s6 =	sshll.u32 s26, $0x1;
	_ =	strace $0x80000046;
	[dreg:$0x1] =	wrdreg $0xFFFFFFFF  }
0xad: {  	s28 =	simm.s32 $_size_execute0_lowered;
	s4 =	sadd.s32 s4, s6;
	[dreg:$0x0] =	wrdreg $0x0  }
0xae: {  	s6 =	sshll.u32 s28, $0x1;
	[dreg:$0x2] =	wrdreg s4  }
0xaf: {  	[dreg:$0x3] =	wrdreg s6  }
0xb0: {  	[dreg:$0x4] =	wrdreg $0xC0  }
0xb1: {  	_ =	task [dreg:s8], $0x5FFFF  }
0xb2: {  	[dreg:$0x1] =	wrdreg $0xFFFFFFFF  }
0xb3: {  	[dreg:$0x0] =	wrdreg $0x60  }
0xb4: {  	[dreg:$0x2] =	wrdreg s17  }
0xb5: {  	[dreg:$0x3] =	wrdreg s16  }
0xb6: {  	[dreg:$0x4] =	wrdreg s24  }
0xb7: {  	[dreg:$0x5] =	wrdreg $0x9  }
0xb8: {  	_ =	task.clear_ibuf [dreg:s8], $0x6FFFF;
	_ =	strace $0x90000046  }
0xb9: {  	s29 =	simm.s32 $0x9;
	_ =	strace $0x80000048  }
0xba: {  	_ =	swait.ge [sflag:s29], $0x1  }
0xbb: {  	[sflag:s29] =	ssyncadd.s32 $0xFFFFFFFF  }
0xbc: {  	_ =	strace $0x90000048  }
0xbd: {  	_ =	sfence  }
0xbe: {  	s30 =	sld [smem:$0x0];
	_ =	sdelay $0x2  }
0xbf: {  	s31 =	sshll.u32 s1, $0xD;
	s1 =	sshrl.u32 s1, $0x2  }
0xc0: {  	s3 =	sand.u32 $0x4000, s31;
	s1 =	sadd.s32 s1, s30  }
0xc1: {  	s0 =	sor.u32 s3, s0;
	s1 =	sshll.u32 s1, $0x11  }
0xc2: {  	s0 =	sor.u32 s1, s0  }
0xc3: {  	s0 =	sadd.s32 $0x8F2B, s0  }
0xc4: {  	[sflag:s0] =	ssyncadd.remote.s32 $0x1  }
0xc5: {  	_ =	sfence.sel $0xFFFF  }
0xc6: {  	[dreg:$0x0] =	wrdreg $0xFFFFFFFF;
	(pc) =	sbr.abs _section_cstart, $3  }
0xc7: {  	[dreg:$0x1] =	wrdreg $0xFFFFFFFF  }
0xc8: {  	_ =	task.clear_ibuf [dreg:s8], $0x2FFFF;
	_ =	strace $0x9FFFFFFF  }
0xc9: {  	(tm) =	ssettm $0x7FFFFFFF  }
tec
execute0_lowered:
.L_overlay_start_1:
0x0: {  	(tag) =	ssettag $0x1  }
0x1: {  	s8 =	rddreg [dreg:$0x0]  }
0x2: {  	s11 =	rddreg [dreg:$0x1]  }
0x3: {  	s7 =	rddreg [dreg:$0x2]  }
0x4: {  	s0 =	rddreg [dreg:$0x3]  }
0x5: {  	s3 =	simm.s32 $0x0;
	s2 =	srdreg.scid;
	s1 =	stileid.u32  }
0x6: {  	s6 =	simm.s32 $0x2;
	s4 =	sadd.s32 $0x5600, s7;
	s15 =	sand.u32 $0x1, s2  }
0x7: {  	s5 =	sadd.s32 $0x600, s7;
	s9 =	smul.u32 $0x500, s1;
	p0 =	seq.s32 s15, $0x0  }
0x8: {  	[smem:$0x7FF] =	sst s3;
	s2 =	sadd.s32 $0xF600, s7;
	s5 =	smov.u32 @p0 s4  }
0x9: {  	_ =	strace $0x80000047;
	s4 =	sadd.s32 s5, s9;
	s5 =	simm.s32 $0x100  }
0xa: {  	[tilespmem:s5], [sflag:$0x2] =	stream.linear.gather [hbm4b:s4+s3], $0x2800, $0x38;
	[tilespmem:$0x2900] =	vst v63  }
0xb: {  	s16 =	sadd.s32 $0xA600, s7;
	s7 =	smov.u32 s2;
	_ =	swait.ge [sflag:s6], $0x2800  }
0xc: {  	s7 =	smov.u32 @p0 s16;
	[sflag:s6] =	ssyncset.done $0x0  }
0xd: {  	s12 =	sshll.u32 s1, $0x4;
	s7 =	sadd.s32 s7, s9;
	[sflag:s6] =	ssyncadd.s32 $0xFFFFD800  }
0xe: {  	[hbm4b:s7+s3] =	stream.linear.scatter [tilespmem:s5], [sflag:$0x2], $0x2800, $0x38;
	[tilespmem:$0x2900] =	vst v63  }
0xf: {  	s11 =	sadd.s32 s11, s12;
	p0 =	sgt.u32 s1, $0x7;
	_ =	swait.ge [sflag:s6], $0x2800  }
0x10: {  	s9 =	sadd.s32 s8, s12;
	p2 =	sne.s32 @!p0 s15, $0x0;
	[sflag:s6] =	ssyncset.done $0x0  }
0x11: {  	s8 =	simm.s32 @!p0 $0x0;
	s10 =	simm.s32 @!p0 $0x2;
	[sflag:s6] =	ssyncadd.s32 $0xFFFFD800  }
0x12: {  	s15 =	ssub.s32 $0x2, s15;
	p1 =	por !p2, p0;
	[bflag:$0x0] =	sbarrier.arrive $0xFFFF  }
0x13: {  	[tilespmem:s8], [sflag:$0x2] =	stream.linear.gather @!p0 [hbm4b:s9+s8], $0x80, $0x38;
	[tilespmem:$0x2900] =	vst v63  }
0x14: {  	s17 =	sshrl.u32 s15, $0x1;
	s12 =	simm.s32 @!p1 $0x2;
	_ =	swait.ge @!p0 [sflag:s10], $0x80  }
0x15: {  	s13 =	simm.s32 @!p1 $0x0;
	s15 =	ssub.s32 s15, s17;
	[sflag:s10] =	ssyncset.done @!p0 $0x0  }
0x16: {  	s14 =	simm.s32 @!p1 $0x80;
	s15 =	smax.u32 s15, $0x1;
	[sflag:s10] =	ssyncadd.s32 @!p0 $0xFFFFFF80  }
0x17: {  	[tilespmem:s14], [sflag:$0x2] =	stream.linear.gather @!p1 [hbm4b:s11+s13], $0x80, $0x38;
	[tilespmem:$0x2900] =	vst v63  }
0x18: {  	s15 =	sadd.s32 $0xFFFFFFFF, s15;
	_ =	swait.ge @!p1 [sflag:s12], $0x80  }
0x19: {  	p2 =	por p2, p0;
	p3 =	sne.s32 s15, $0x0;
	[sflag:s12] =	ssyncset.done @!p1 $0x0  }
.Ltmp0:
0x1a: {  	v0 =	vimm.s32 @!p2 $0x1;
	[sflag:s12] =	ssyncadd.s32 @!p1 $0xFFFFFF80;
	(pc) =	sbr.rel @!p3 .LBB2_2-.Ltmp0, $4  }
0x1b: {  	[tilespmem:$0xF0] =	vst @!p2 v0  }
0x1c: {  	[tilespmem:$0xE0] =	vst @!p2 v0  }
0x1d: {  	[tilespmem:$0xD0] =	vst @!p2 v0  }
0x1e: {  	s2 =	smov.u32 @p1 s16;
	[tilespmem:$0xC0] =	vst @!p2 v0  }
.LBB2_1:
0x1f: {  	s15 =	sadd.s32 $0xFFFFFFFF, s15;
	[tilespmem:$0xB0] =	vst @!p2 v0  }
0x20: {  	p3 =	sne.s32 s15, $0x0;
	[tilespmem:$0xA0] =	vst @!p2 v0  }
0x21: {  	s16 =	simm.s32 @!p0 $0x80;
	[tilespmem:$0x80] =	vst @!p2 v0  }
0x22: {  	s17 =	simm.s32 @!p0 $0x1;
	[tilespmem:$0x90] =	vst @!p2 v0  }
0x23: {  	[hbm4b:s2+s16] =	stream.indirect.scatter @!p0 [tilespmem:s16], [sflag:$0x1], $0x1, s8, s16, $0xb8;
	[tilespmem:$0x2900] =	vst v63  }
0x24: {  	_ =	swait.ge @!p0 [sflag:s17], $0x80  }
0x25: {  	[sflag:s17] =	ssyncset.done @!p0 $0x0  }
0x26: {  	[sflag:s17] =	ssyncadd.s32 @!p0 $0xFFFFFF80  }
0x27: {  	[tilespmem:s5], [sflag:$0x2] =	stream.linear.gather [hbm4b:s4+s3], $0x2800, $0x38;
	[tilespmem:$0x2900] =	vst v63  }
0x28: {  	_ =	swait.ge [sflag:s6], $0x2800  }
0x29: {  	[sflag:s6] =	ssyncset.done $0x0  }
0x2a: {  	[sflag:s6] =	ssyncadd.s32 $0xFFFFD800  }
0x2b: {  	[hbm4b:s7+s3] =	stream.linear.scatter [tilespmem:s5], [sflag:$0x2], $0x2800, $0x38;
	[tilespmem:$0x2900] =	vst v63  }
0x2c: {  	_ =	swait.ge [sflag:s6], $0x2800  }
0x2d: {  	[sflag:s6] =	ssyncset.done $0x0  }
0x2e: {  	[sflag:s6] =	ssyncadd.s32 $0xFFFFD800  }
0x2f: {  	[bflag:$0x0] =	sbarrier.arrive $0xFFFF  }
0x30: {  	[tilespmem:s8], [sflag:$0x2] =	stream.linear.gather @!p0 [hbm4b:s9+s8], $0x80, $0x38;
	[tilespmem:$0x2900] =	vst v63  }
0x31: {  	_ =	swait.ge @!p0 [sflag:s10], $0x80  }
0x32: {  	[sflag:s10] =	ssyncset.done @!p0 $0x0  }
0x33: {  	[sflag:s10] =	ssyncadd.s32 @!p0 $0xFFFFFF80  }
0x34: {  	[tilespmem:s14], [sflag:$0x2] =	stream.linear.gather @!p1 [hbm4b:s11+s13], $0x80, $0x38;
	[tilespmem:$0x2900] =	vst v63  }
0x35: {  	_ =	swait.ge @!p1 [sflag:s12], $0x80  }
0x36: {  	[sflag:s12] =	ssyncset.done @!p1 $0x0  }
.Ltmp1:
0x37: {  	[sflag:s12] =	ssyncadd.s32 @!p1 $0xFFFFFF80;
	(pc) =	sbr.rel @p3 .LBB2_1-.Ltmp1, $4  }
0x38: {  	[tilespmem:$0xF0] =	vst @!p2 v0  }
0x39: {  	[tilespmem:$0xE0] =	vst @!p2 v0  }
0x3a: {  	[tilespmem:$0xD0] =	vst @!p2 v0  }
0x3b: {  	[tilespmem:$0xC0] =	vst @!p2 v0  }
.LBB2_2:
0x3c: {  	[tilespmem:$0xB0] =	vst @!p2 v0  }
0x3d: {  	[tilespmem:$0xA0] =	vst @!p2 v0  }
0x3e: {  	[tilespmem:$0x80] =	vst @!p2 v0  }
0x3f: {  	s3 =	simm.s32 @!p0 $0x80;
	[tilespmem:$0x90] =	vst @!p2 v0;
	s4 =	simm.s32 @!p0 $0x1  }
0x40: {  	[hbm4b:s2+s3] =	stream.indirect.scatter @!p0 [tilespmem:s3], [sflag:$0x1], $0x1, s8, s3, $0xb8;
	[tilespmem:$0x2900] =	vst v63  }
0x41: {  	_ =	swait.ge @!p0 [sflag:s4], $0x80  }
0x42: {  	[sflag:s4] =	ssyncset.done @!p0 $0x0  }
0x43: {  	[sflag:s4] =	ssyncadd.s32 @!p0 $0xFFFFFF80  }
0x44: {  	_ =	sfence.sel $0x180000  }
0x45: {  	[bflag:$0x0] =	sbarrier.arrive $0xFFFF  }
0x46: {  	p0 =	sne.s32 s1, $0x0;
	_ =	strace $0x90000047  }
0x47: {  	s0 =	sadd.s32 @!p0 $0x100000, s0;
	[bflag:$0x2] =	sbarrier.arrive $0xFFFF  }
0x48: {  	[sflag:s0] =	ssyncadd.tile.s32 @!p0 $0x1;
	_ =	shalt  }
.Lfunc_end2:
_tile_overlayer_lowered:
.L_overlay_start_2:
0x49: {  	(tag) =	ssettag $0x2  }
0x4a: {  	s0 =	rddreg [dreg:$0x0];
	s2 =	stileid.u32  }
0x4b: {  	s1 =	rddreg [dreg:$0x1];
	p0 =	sne.s32 s2, $0x0  }
0x4c: {  	s3 =	rddreg [dreg:$0x2];
	[bflag:$0x3] =	sbarrier.arrive $0xFFFF;
	s2 =	simm.s32 @!p0 $0x1C02  }
0x4d: {  	[timem:s3], [sflag:s2] =	dma.local @!p0 [hbm:s0], s1  }
0x4e: {  	s0 =	simm.s32 @!p0 $0x2  }
0x4f: {  	_ =	swait.ge @!p0 [sflag:s0], s1  }
0x50: {  	s1 =	ssub.s32 @!p0 $0x0, s1;
	[sflag:s0] =	ssyncset.done @!p0 $0x0  }
0x51: {  	[sflag:s0] =	ssyncadd.s32 @!p0 s1  }
0x52: {  	[bflag:$0x3] =	sbarrier.arrive $0xFFFF  }
0x53: {  	_ =	shalt  }

</sc_bundles>
